<compile_context>
chip_gen: v7x
topology: tpu7x:2x2x1
jax: 0.10.2.dev20260603
libtpu: 0.0.44.dev20260713+nightly
codegen_flags: <defaults>
</compile_context>

<pallas_src>
import jax
import jax.numpy as jnp
from jax import lax
from jax.experimental import pallas as pl
from jax.experimental.pallas import tpu as pltpu
from jax.experimental.pallas import tpu_sc as plsc

_ROW_INDICES = (5, 8, 7, 16, 256, 123)
_NUM_ROWS = len(_ROW_INDICES)
_DIM = 64
_LANES = 16

_CHUNK_STARTS = tuple(sorted({i - i % 128 for i in _ROW_INDICES}))
_NUM_CHUNKS = len(_CHUNK_STARTS)
_COORDS = tuple(
    (_CHUNK_STARTS.index(i - i % 128), (i % 128) // _LANES, i % _LANES)
    for i in _ROW_INDICES
)
_WINDOWS = tuple(sorted({(blk, win) for blk, win, _ in _COORDS}))


def _gather_body(tbl_hbm, out_hbm, chunks_v, rows_v, sem):
    sid = lax.axis_index("s")

    @pl.when(sid == 0)
    def _():
        copies = [
            pltpu.async_copy(
                tbl_hbm.at[:, pl.ds(start, 128)], chunks_v.at[k], sem
            )
            for k, start in enumerate(_CHUNK_STARTS)
        ]
        for c in copies:
            c.wait()

        pos = lax.iota(jnp.int32, _LANES)

        def q_body(q, _):
            def t_body(t, acc):
                c = q * _LANES + t
                wvals = {
                    (blk, win): chunks_v[blk, c, pl.ds(win * _LANES, _LANES)]
                    for blk, win in _WINDOWS
                }
                return tuple(
                    jnp.where(pos == t, wvals[(blk, win)][lane], a)
                    for a, (blk, win, lane) in zip(acc, _COORDS)
                )

            acc = lax.fori_loop(
                0,
                _LANES,
                t_body,
                tuple(jnp.zeros((_LANES,), jnp.float32) for _ in _ROW_INDICES),
            )
            for j in range(_NUM_ROWS):
                rows_v[j, pl.ds(q * _LANES, _LANES)] = acc[j]
            return 0

        lax.fori_loop(0, _DIM // _LANES, q_body, 0)
        pltpu.sync_copy(rows_v, out_hbm)


def kernel(input):
    tbl = input.T
    mesh = plsc.VectorSubcoreMesh(
        core_axis_name="c", subcore_axis_name="s", num_cores=1
    )
    gather = pl.kernel(
        _gather_body,
        mesh=mesh,
        out_type=jax.ShapeDtypeStruct((_NUM_ROWS, _DIM), jnp.float32),
        scratch_types=[
            pltpu.VMEM((_NUM_CHUNKS, _DIM, 128), jnp.float32),
            pltpu.VMEM((_NUM_ROWS, _DIM), jnp.float32),
            pltpu.SemaphoreType.DMA,
        ],
    )
    return gather(tbl)

# --- scband reference (transcript-rebuilt; emitter-appended) ---
"""Pipeline reference for scband-model-11879879543147 (READ-ONLY COPY).

The authoritative reference and input builder live on the scoring server;
editing this copy changes nothing except your own understanding.
"""

import jax, jax.numpy as jnp
import numpy as np

def setup_inputs(seed: int = 0) -> dict:
    key = jax.random.key(seed)
    input = jax.random.normal(key, (1000000, 64), dtype=jnp.float32)
    return {"input": input}

def reference(input):
    indices = jnp.array([5, 8, 7, 16, 256, 123], dtype=jnp.int32)
    x = jnp.take(input, indices, axis=0)
    return x

if __name__ == "__main__":
    import jax
    _d = setup_inputs()
    print(jax.jit(kernel)(*tuple(_d.values())))

</pallas_src>

<mosaic_0001>
#map = affine_map<(d0, d1) -> (0, 0)>
module attributes {stable_mosaic.version = 14 : i64} {
  func.func @_gather_body(%arg0: i32, %arg1: i32, %arg2: memref<64x1000000xf32, #tpu.memory_space<hbm>>, %arg3: memref<6x64xf32, #tpu.memory_space<hbm>>, %arg4: memref<2x64x128xf32, #tpu.memory_space<vmem>>, %arg5: memref<6x64xf32, #tpu.memory_space<vmem>>, %arg6: memref<!tpu.dma_semaphore, #tpu.memory_space<semaphore_mem>>) attributes {dimension_semantics = [#tpu.dimension_semantics<core_parallel>, #tpu.dimension_semantics<subcore_parallel>], iteration_bounds = array<i64: 1, 16>, scalar_prefetch = 0 : i64, scratch_operands = 3 : i64, tpu.core_type = #tpu.core_type<sc_vector_subcore>, window_params = [{transform_indices = #map}, {transform_indices = #map}]} {
    %eq3A = arith.constant 0 : i32
    %eq3A_0 = arith.cmpi eq, %arg1, %eq3A : i32
    %convert_element_type3A = arith.extui %eq3A_0 : i1 to i32
    %cond3A = arith.constant 0 : i32
    %cond3A_1 = arith.cmpi ne, %convert_element_type3A, %cond3A : i32
    scf.if %cond3A_1 {
      %dma_start3A = arith.constant 0 : i32
      %dma_start3A_2 = arith.constant 0 : i32
      %dma_start3A_3 = arith.constant 0 : i32
      %dma_start3A_4 = tpu.memref_slice %arg4[%dma_start3A, %dma_start3A_2, %dma_start3A_3] : memref<2x64x128xf32, #tpu.memory_space<vmem>> -> memref<1x64x128xf32, #tpu.memory_space<vmem>>
      %dma_start3A_5 = tpu.memref_squeeze %dma_start3A_4 : memref<1x64x128xf32, #tpu.memory_space<vmem>> -> memref<64x128xf32, #tpu.memory_space<vmem>>
      %dma_start3A_6 = arith.constant 0 : i32
      %dma_start3A_7 = arith.constant 0 : i32
      %dma_start3A_8 = tpu.memref_slice %arg2[%dma_start3A_6, %dma_start3A_7] : memref<64x1000000xf32, #tpu.memory_space<hbm>> -> memref<64x128xf32, #tpu.memory_space<hbm>>
      %dma_start3A_9 = arith.constant 0 : i32
      %dma_start3A_10 = arith.constant 0 : i32
      %dma_start3A_11 = tpu.memref_slice %arg4[%dma_start3A, %dma_start3A_9, %dma_start3A_10] : memref<2x64x128xf32, #tpu.memory_space<vmem>> -> memref<1x64x128xf32, #tpu.memory_space<vmem>>
      %dma_start3A_12 = tpu.memref_squeeze %dma_start3A_11 : memref<1x64x128xf32, #tpu.memory_space<vmem>> -> memref<64x128xf32, #tpu.memory_space<vmem>>
      %dma_start3A_13 = arith.constant 0 : i32
      %dma_start3A_14 = arith.constant 0 : i32
      %dma_start3A_15 = tpu.memref_slice %arg2[%dma_start3A_13, %dma_start3A_14] : memref<64x1000000xf32, #tpu.memory_space<hbm>> -> memref<64x128xf32, #tpu.memory_space<hbm>>
      tpu.enqueue_dma source(%dma_start3A_15 : memref<64x128xf32, #tpu.memory_space<hbm>>) target(%dma_start3A_12 : memref<64x128xf32, #tpu.memory_space<vmem>>) target_semaphore(%arg6 : memref<!tpu.dma_semaphore, #tpu.memory_space<semaphore_mem>>)
      %dma_start3A_16 = arith.constant 1 : i32
      %dma_start3A_17 = arith.constant 0 : i32
      %dma_start3A_18 = arith.constant 0 : i32
      %dma_start3A_19 = tpu.memref_slice %arg4[%dma_start3A_16, %dma_start3A_17, %dma_start3A_18] : memref<2x64x128xf32, #tpu.memory_space<vmem>> -> memref<1x64x128xf32, #tpu.memory_space<vmem>>
      %dma_start3A_20 = tpu.memref_squeeze %dma_start3A_19 : memref<1x64x128xf32, #tpu.memory_space<vmem>> -> memref<64x128xf32, #tpu.memory_space<vmem>>
      %dma_start3A_21 = arith.constant 0 : i32
      %dma_start3A_22 = arith.constant 256 : i32
      %dma_start3A_23 = tpu.memref_slice %arg2[%dma_start3A_21, %dma_start3A_22] : memref<64x1000000xf32, #tpu.memory_space<hbm>> -> memref<64x128xf32, #tpu.memory_space<hbm>>
      %dma_start3A_24 = arith.constant 0 : i32
      %dma_start3A_25 = arith.constant 0 : i32
      %dma_start3A_26 = tpu.memref_slice %arg4[%dma_start3A_16, %dma_start3A_24, %dma_start3A_25] : memref<2x64x128xf32, #tpu.memory_space<vmem>> -> memref<1x64x128xf32, #tpu.memory_space<vmem>>
      %dma_start3A_27 = tpu.memref_squeeze %dma_start3A_26 : memref<1x64x128xf32, #tpu.memory_space<vmem>> -> memref<64x128xf32, #tpu.memory_space<vmem>>
      %dma_start3A_28 = arith.constant 0 : i32
      %dma_start3A_29 = arith.constant 256 : i32
      %dma_start3A_30 = tpu.memref_slice %arg2[%dma_start3A_28, %dma_start3A_29] : memref<64x1000000xf32, #tpu.memory_space<hbm>> -> memref<64x128xf32, #tpu.memory_space<hbm>>
      tpu.enqueue_dma source(%dma_start3A_30 : memref<64x128xf32, #tpu.memory_space<hbm>>) target(%dma_start3A_27 : memref<64x128xf32, #tpu.memory_space<vmem>>) target_semaphore(%arg6 : memref<!tpu.dma_semaphore, #tpu.memory_space<semaphore_mem>>)
      %dma_wait3A = arith.constant 0 : i32
      %dma_wait3A_31 = arith.constant 0 : i32
      %dma_wait3A_32 = arith.constant 0 : i32
      %dma_wait3A_33 = tpu.memref_slice %arg4[%dma_wait3A, %dma_wait3A_31, %dma_wait3A_32] : memref<2x64x128xf32, #tpu.memory_space<vmem>> -> memref<1x64x128xf32, #tpu.memory_space<vmem>>
      %dma_wait3A_34 = tpu.memref_squeeze %dma_wait3A_33 : memref<1x64x128xf32, #tpu.memory_space<vmem>> -> memref<64x128xf32, #tpu.memory_space<vmem>>
      %dma_wait3A_35 = arith.constant 0 : i32
      %dma_wait3A_36 = arith.constant 0 : i32
      %dma_wait3A_37 = tpu.memref_slice %arg2[%dma_wait3A_35, %dma_wait3A_36] : memref<64x1000000xf32, #tpu.memory_space<hbm>> -> memref<64x128xf32, #tpu.memory_space<hbm>>
      %dma_wait3A_38 = arith.constant 0 : i32
      %dma_wait3A_39 = arith.constant 0 : i32
      %dma_wait3A_40 = tpu.memref_slice %arg4[%dma_wait3A, %dma_wait3A_38, %dma_wait3A_39] : memref<2x64x128xf32, #tpu.memory_space<vmem>> -> memref<1x64x128xf32, #tpu.memory_space<vmem>>
      %dma_wait3A_41 = tpu.memref_squeeze %dma_wait3A_40 : memref<1x64x128xf32, #tpu.memory_space<vmem>> -> memref<64x128xf32, #tpu.memory_space<vmem>>
      %dma_wait3A_42 = arith.constant 0 : i32
      %dma_wait3A_43 = arith.constant 0 : i32
      %dma_wait3A_44 = tpu.memref_slice %arg2[%dma_wait3A_42, %dma_wait3A_43] : memref<64x1000000xf32, #tpu.memory_space<hbm>> -> memref<64x128xf32, #tpu.memory_space<hbm>>
      tpu.wait_dma2 semaphore(%arg6 : memref<!tpu.dma_semaphore, #tpu.memory_space<semaphore_mem>>) src(%dma_wait3A_44 : memref<64x128xf32, #tpu.memory_space<hbm>>) dst(%dma_wait3A_41 : memref<64x128xf32, #tpu.memory_space<vmem>>)
      %dma_wait3A_45 = arith.constant 1 : i32
      %dma_wait3A_46 = arith.constant 0 : i32
      %dma_wait3A_47 = arith.constant 0 : i32
      %dma_wait3A_48 = tpu.memref_slice %arg4[%dma_wait3A_45, %dma_wait3A_46, %dma_wait3A_47] : memref<2x64x128xf32, #tpu.memory_space<vmem>> -> memref<1x64x128xf32, #tpu.memory_space<vmem>>
      %dma_wait3A_49 = tpu.memref_squeeze %dma_wait3A_48 : memref<1x64x128xf32, #tpu.memory_space<vmem>> -> memref<64x128xf32, #tpu.memory_space<vmem>>
      %dma_wait3A_50 = arith.constant 0 : i32
      %dma_wait3A_51 = arith.constant 256 : i32
      %dma_wait3A_52 = tpu.memref_slice %arg2[%dma_wait3A_50, %dma_wait3A_51] : memref<64x1000000xf32, #tpu.memory_space<hbm>> -> memref<64x128xf32, #tpu.memory_space<hbm>>
      %dma_wait3A_53 = arith.constant 0 : i32
      %dma_wait3A_54 = arith.constant 0 : i32
      %dma_wait3A_55 = tpu.memref_slice %arg4[%dma_wait3A_45, %dma_wait3A_53, %dma_wait3A_54] : memref<2x64x128xf32, #tpu.memory_space<vmem>> -> memref<1x64x128xf32, #tpu.memory_space<vmem>>
      %dma_wait3A_56 = tpu.memref_squeeze %dma_wait3A_55 : memref<1x64x128xf32, #tpu.memory_space<vmem>> -> memref<64x128xf32, #tpu.memory_space<vmem>>
      %dma_wait3A_57 = arith.constant 0 : i32
      %dma_wait3A_58 = arith.constant 256 : i32
      %dma_wait3A_59 = tpu.memref_slice %arg2[%dma_wait3A_57, %dma_wait3A_58] : memref<64x1000000xf32, #tpu.memory_space<hbm>> -> memref<64x128xf32, #tpu.memory_space<hbm>>
      tpu.wait_dma2 semaphore(%arg6 : memref<!tpu.dma_semaphore, #tpu.memory_space<semaphore_mem>>) src(%dma_wait3A_59 : memref<64x128xf32, #tpu.memory_space<hbm>>) dst(%dma_wait3A_56 : memref<64x128xf32, #tpu.memory_space<vmem>>)
      %iota3A = tpu.iota {dimensions = array<i32: 0>} : vector<16xi32>
      %scan3A = arith.constant 0 : i32
      %scan3A_60 = arith.constant 0 : i32
      %scan3A_61 = arith.constant 4 : i32
      %scan3A_62 = arith.addi %scan3A_60, %scan3A_61 : i32
      %scan3A_63 = arith.constant 1 : i32
      %scan3A_64 = scf.for %scan3A_66 = %scan3A_60 to %scan3A_62 step %scan3A_63 iter_args(%scan3A_67 = %scan3A) -> (i32)  : i32 {
        %broadcast_in_dim3A = arith.constant 0.000000e+00 : f32
        %broadcast_in_dim3A_68 = vector.broadcast %broadcast_in_dim3A : f32 to vector<16xf32>
        %broadcast_in_dim3A_69 = arith.constant 0.000000e+00 : f32
        %broadcast_in_dim3A_70 = vector.broadcast %broadcast_in_dim3A_69 : f32 to vector<16xf32>
        %broadcast_in_dim3A_71 = arith.constant 0.000000e+00 : f32
        %broadcast_in_dim3A_72 = vector.broadcast %broadcast_in_dim3A_71 : f32 to vector<16xf32>
        %broadcast_in_dim3A_73 = arith.constant 0.000000e+00 : f32
        %broadcast_in_dim3A_74 = vector.broadcast %broadcast_in_dim3A_73 : f32 to vector<16xf32>
        %broadcast_in_dim3A_75 = arith.constant 0.000000e+00 : f32
        %broadcast_in_dim3A_76 = vector.broadcast %broadcast_in_dim3A_75 : f32 to vector<16xf32>
        %broadcast_in_dim3A_77 = arith.constant 0.000000e+00 : f32
        %broadcast_in_dim3A_78 = vector.broadcast %broadcast_in_dim3A_77 : f32 to vector<16xf32>
        %scan3A_79 = arith.constant 0 : i32
        %scan3A_80 = arith.constant 16 : i32
        %scan3A_81 = arith.addi %scan3A_79, %scan3A_80 : i32
        %scan3A_82 = arith.constant 1 : i32
        %scan3A_83:6 = scf.for %scan3A_132 = %scan3A_79 to %scan3A_81 step %scan3A_82 iter_args(%scan3A_133 = %broadcast_in_dim3A_68, %scan3A_134 = %broadcast_in_dim3A_70, %scan3A_135 = %broadcast_in_dim3A_72, %scan3A_136 = %broadcast_in_dim3A_74, %scan3A_137 = %broadcast_in_dim3A_76, %scan3A_138 = %broadcast_in_dim3A_78) -> (vector<16xf32>, vector<16xf32>, vector<16xf32>, vector<16xf32>, vector<16xf32>, vector<16xf32>)  : i32 {
          %mul3A_139 = arith.constant 16 : i32
          %mul3A_140 = arith.muli %scan3A_66, %mul3A_139 : i32
          %add3A = arith.addi %mul3A_140, %scan3A_132 : i32
          %get3A = arith.constant 0 : i32
          %get3A_141 = arith.index_cast %get3A : i32 to index
          %get3A_142 = arith.index_cast %add3A : i32 to index
          %get3A_143 = arith.constant 0 : index
          %get3A_144 = tpu.vector_load %arg4[%get3A_141, %get3A_142, %get3A_143] {strides = array<i32>} : memref<2x64x128xf32, #tpu.memory_space<vmem>>, vector<1x1x16xf32>,
          %get3A_145 = vector.shape_cast %get3A_144 : vector<1x1x16xf32> to vector<16xf32>
          %get3A_146 = arith.constant 0 : i32
          %get3A_147 = arith.index_cast %get3A_146 : i32 to index
          %get3A_148 = arith.index_cast %add3A : i32 to index
          %get3A_149 = arith.constant 16 : index
          %get3A_150 = tpu.vector_load %arg4[%get3A_147, %get3A_148, %get3A_149] {strides = array<i32>} : memref<2x64x128xf32, #tpu.memory_space<vmem>>, vector<1x1x16xf32>,
          %get3A_151 = vector.shape_cast %get3A_150 : vector<1x1x16xf32> to vector<16xf32>
          %get3A_152 = arith.constant 0 : i32
          %get3A_153 = arith.index_cast %get3A_152 : i32 to index
          %get3A_154 = arith.index_cast %add3A : i32 to index
          %get3A_155 = arith.constant 112 : index
          %get3A_156 = tpu.vector_load %arg4[%get3A_153, %get3A_154, %get3A_155] {strides = array<i32>} : memref<2x64x128xf32, #tpu.memory_space<vmem>>, vector<1x1x16xf32>,
          %get3A_157 = vector.shape_cast %get3A_156 : vector<1x1x16xf32> to vector<16xf32>
          %get3A_158 = arith.constant 1 : i32
          %get3A_159 = arith.index_cast %get3A_158 : i32 to index
          %get3A_160 = arith.index_cast %add3A : i32 to index
          %get3A_161 = arith.constant 0 : index
          %get3A_162 = tpu.vector_load %arg4[%get3A_159, %get3A_160, %get3A_161] {strides = array<i32>} : memref<2x64x128xf32, #tpu.memory_space<vmem>>, vector<1x1x16xf32>,
          %get3A_163 = vector.shape_cast %get3A_162 : vector<1x1x16xf32> to vector<16xf32>
          %eq3A_164 = vector.broadcast %scan3A_132 : i32 to vector<16xi32>
          %eq3A_165 = arith.cmpi eq, %iota3A, %eq3A_164 : vector<16xi32>
          %slice3A = vector.extract_strided_slice %get3A_145 {offsets = [5], sizes = [1], strides = [1]} : vector<16xf32> to vector<1xf32>
          %squeeze3A = vector.extract %slice3A[0] : f32 from vector<1xf32>
          %broadcast_in_dim3A_166 = vector.broadcast %squeeze3A : f32 to vector<16xf32>
          %select_n3A = arith.select %eq3A_165, %broadcast_in_dim3A_166, %scan3A_133 : vector<16xi1>, vector<16xf32>
          %eq3A_167 = vector.broadcast %scan3A_132 : i32 to vector<16xi32>
          %eq3A_168 = arith.cmpi eq, %iota3A, %eq3A_167 : vector<16xi32>
          %slice3A_169 = vector.extract_strided_slice %get3A_145 {offsets = [8], sizes = [1], strides = [1]} : vector<16xf32> to vector<1xf32>
          %squeeze3A_170 = vector.extract %slice3A_169[0] : f32 from vector<1xf32>
          %broadcast_in_dim3A_171 = vector.broadcast %squeeze3A_170 : f32 to vector<16xf32>
          %select_n3A_172 = arith.select %eq3A_168, %broadcast_in_dim3A_171, %scan3A_134 : vector<16xi1>, vector<16xf32>
          %eq3A_173 = vector.broadcast %scan3A_132 : i32 to vector<16xi32>
          %eq3A_174 = arith.cmpi eq, %iota3A, %eq3A_173 : vector<16xi32>
          %slice3A_175 = vector.extract_strided_slice %get3A_145 {offsets = [7], sizes = [1], strides = [1]} : vector<16xf32> to vector<1xf32>
          %squeeze3A_176 = vector.extract %slice3A_175[0] : f32 from vector<1xf32>
          %broadcast_in_dim3A_177 = vector.broadcast %squeeze3A_176 : f32 to vector<16xf32>
          %select_n3A_178 = arith.select %eq3A_174, %broadcast_in_dim3A_177, %scan3A_135 : vector<16xi1>, vector<16xf32>
          %eq3A_179 = vector.broadcast %scan3A_132 : i32 to vector<16xi32>
          %eq3A_180 = arith.cmpi eq, %iota3A, %eq3A_179 : vector<16xi32>
          %slice3A_181 = vector.extract_strided_slice %get3A_151 {offsets = [0], sizes = [1], strides = [1]} : vector<16xf32> to vector<1xf32>
          %squeeze3A_182 = vector.extract %slice3A_181[0] : f32 from vector<1xf32>
          %broadcast_in_dim3A_183 = vector.broadcast %squeeze3A_182 : f32 to vector<16xf32>
          %select_n3A_184 = arith.select %eq3A_180, %broadcast_in_dim3A_183, %scan3A_136 : vector<16xi1>, vector<16xf32>
          %eq3A_185 = vector.broadcast %scan3A_132 : i32 to vector<16xi32>
          %eq3A_186 = arith.cmpi eq, %iota3A, %eq3A_185 : vector<16xi32>
          %slice3A_187 = vector.extract_strided_slice %get3A_163 {offsets = [0], sizes = [1], strides = [1]} : vector<16xf32> to vector<1xf32>
          %squeeze3A_188 = vector.extract %slice3A_187[0] : f32 from vector<1xf32>
          %broadcast_in_dim3A_189 = vector.broadcast %squeeze3A_188 : f32 to vector<16xf32>
          %select_n3A_190 = arith.select %eq3A_186, %broadcast_in_dim3A_189, %scan3A_137 : vector<16xi1>, vector<16xf32>
          %eq3A_191 = vector.broadcast %scan3A_132 : i32 to vector<16xi32>
          %eq3A_192 = arith.cmpi eq, %iota3A, %eq3A_191 : vector<16xi32>
          %slice3A_193 = vector.extract_strided_slice %get3A_157 {offsets = [11], sizes = [1], strides = [1]} : vector<16xf32> to vector<1xf32>
          %squeeze3A_194 = vector.extract %slice3A_193[0] : f32 from vector<1xf32>
          %broadcast_in_dim3A_195 = vector.broadcast %squeeze3A_194 : f32 to vector<16xf32>
          %select_n3A_196 = arith.select %eq3A_192, %broadcast_in_dim3A_195, %scan3A_138 : vector<16xi1>, vector<16xf32>
          scf.yield %select_n3A, %select_n3A_172, %select_n3A_178, %select_n3A_184, %select_n3A_190, %select_n3A_196 : vector<16xf32>, vector<16xf32>, vector<16xf32>, vector<16xf32>, vector<16xf32>, vector<16xf32>
        }
        %scan3A_84 = arith.constant 16 : i32
        %mul3A = arith.constant 16 : i32
        %mul3A_85 = arith.muli %scan3A_66, %mul3A : i32
        %swap3A = arith.constant 0 : i32
        %swap3A_86 = arith.index_cast %swap3A : i32 to index
        %swap3A_87 = arith.index_cast %mul3A_85 : i32 to index
        %swap3A_88 = tpu.vector_load %arg5[%swap3A_86, %swap3A_87] {strides = array<i32>} : memref<6x64xf32, #tpu.memory_space<vmem>>, vector<1x16xf32>,
        %swap3A_89 = vector.shape_cast %swap3A_88 : vector<1x16xf32> to vector<16xf32>
        %swap3A_90 = vector.shape_cast %scan3A_83#0 : vector<16xf32> to vector<1x16xf32>
        tpu.vector_store %arg5[%swap3A_86, %swap3A_87], %swap3A_90 {strides = array<i32>} : memref<6x64xf32, #tpu.memory_space<vmem>>, vector<1x16xf32>,
        %mul3A_91 = arith.constant 16 : i32
        %mul3A_92 = arith.muli %scan3A_66, %mul3A_91 : i32
        %swap3A_93 = arith.constant 1 : i32
        %swap3A_94 = arith.index_cast %swap3A_93 : i32 to index
        %swap3A_95 = arith.index_cast %mul3A_92 : i32 to index
        %swap3A_96 = tpu.vector_load %arg5[%swap3A_94, %swap3A_95] {strides = array<i32>} : memref<6x64xf32, #tpu.memory_space<vmem>>, vector<1x16xf32>,
        %swap3A_97 = vector.shape_cast %swap3A_96 : vector<1x16xf32> to vector<16xf32>
        %swap3A_98 = vector.shape_cast %scan3A_83#1 : vector<16xf32> to vector<1x16xf32>
        tpu.vector_store %arg5[%swap3A_94, %swap3A_95], %swap3A_98 {strides = array<i32>} : memref<6x64xf32, #tpu.memory_space<vmem>>, vector<1x16xf32>,
        %mul3A_99 = arith.constant 16 : i32
        %mul3A_100 = arith.muli %scan3A_66, %mul3A_99 : i32
        %swap3A_101 = arith.constant 2 : i32
        %swap3A_102 = arith.index_cast %swap3A_101 : i32 to index
        %swap3A_103 = arith.index_cast %mul3A_100 : i32 to index
        %swap3A_104 = tpu.vector_load %arg5[%swap3A_102, %swap3A_103] {strides = array<i32>} : memref<6x64xf32, #tpu.memory_space<vmem>>, vector<1x16xf32>,
        %swap3A_105 = vector.shape_cast %swap3A_104 : vector<1x16xf32> to vector<16xf32>
        %swap3A_106 = vector.shape_cast %scan3A_83#2 : vector<16xf32> to vector<1x16xf32>
        tpu.vector_store %arg5[%swap3A_102, %swap3A_103], %swap3A_106 {strides = array<i32>} : memref<6x64xf32, #tpu.memory_space<vmem>>, vector<1x16xf32>,
        %mul3A_107 = arith.constant 16 : i32
        %mul3A_108 = arith.muli %scan3A_66, %mul3A_107 : i32
        %swap3A_109 = arith.constant 3 : i32
        %swap3A_110 = arith.index_cast %swap3A_109 : i32 to index
        %swap3A_111 = arith.index_cast %mul3A_108 : i32 to index
        %swap3A_112 = tpu.vector_load %arg5[%swap3A_110, %swap3A_111] {strides = array<i32>} : memref<6x64xf32, #tpu.memory_space<vmem>>, vector<1x16xf32>,
        %swap3A_113 = vector.shape_cast %swap3A_112 : vector<1x16xf32> to vector<16xf32>
        %swap3A_114 = vector.shape_cast %scan3A_83#3 : vector<16xf32> to vector<1x16xf32>
        tpu.vector_store %arg5[%swap3A_110, %swap3A_111], %swap3A_114 {strides = array<i32>} : memref<6x64xf32, #tpu.memory_space<vmem>>, vector<1x16xf32>,
        %mul3A_115 = arith.constant 16 : i32
        %mul3A_116 = arith.muli %scan3A_66, %mul3A_115 : i32
        %swap3A_117 = arith.constant 4 : i32
        %swap3A_118 = arith.index_cast %swap3A_117 : i32 to index
        %swap3A_119 = arith.index_cast %mul3A_116 : i32 to index
        %swap3A_120 = tpu.vector_load %arg5[%swap3A_118, %swap3A_119] {strides = array<i32>} : memref<6x64xf32, #tpu.memory_space<vmem>>, vector<1x16xf32>,
        %swap3A_121 = vector.shape_cast %swap3A_120 : vector<1x16xf32> to vector<16xf32>
        %swap3A_122 = vector.shape_cast %scan3A_83#4 : vector<16xf32> to vector<1x16xf32>
        tpu.vector_store %arg5[%swap3A_118, %swap3A_119], %swap3A_122 {strides = array<i32>} : memref<6x64xf32, #tpu.memory_space<vmem>>, vector<1x16xf32>,
        %mul3A_123 = arith.constant 16 : i32
        %mul3A_124 = arith.muli %scan3A_66, %mul3A_123 : i32
        %swap3A_125 = arith.constant 5 : i32
        %swap3A_126 = arith.index_cast %swap3A_125 : i32 to index
        %swap3A_127 = arith.index_cast %mul3A_124 : i32 to index
        %swap3A_128 = tpu.vector_load %arg5[%swap3A_126, %swap3A_127] {strides = array<i32>} : memref<6x64xf32, #tpu.memory_space<vmem>>, vector<1x16xf32>,
        %swap3A_129 = vector.shape_cast %swap3A_128 : vector<1x16xf32> to vector<16xf32>
        %swap3A_130 = vector.shape_cast %scan3A_83#5 : vector<16xf32> to vector<1x16xf32>
        tpu.vector_store %arg5[%swap3A_126, %swap3A_127], %swap3A_130 {strides = array<i32>} : memref<6x64xf32, #tpu.memory_space<vmem>>, vector<1x16xf32>,
        %scan3A_131 = arith.constant 0 : i32
        scf.yield %scan3A_131 : i32
      }
      %scan3A_65 = arith.constant 4 : i32
      "tpu.region"() ({
        %run_scoped3A = tpu.sem_alloc : memref<!tpu.dma_semaphore, #tpu.memory_space<semaphore_mem>>
        tpu.enqueue_dma source(%arg5 : memref<6x64xf32, #tpu.memory_space<vmem>>) target(%arg3 : memref<6x64xf32, #tpu.memory_space<hbm>>) target_semaphore(%run_scoped3A : memref<!tpu.dma_semaphore, #tpu.memory_space<semaphore_mem>>)
        tpu.wait_dma2 semaphore(%run_scoped3A : memref<!tpu.dma_semaphore, #tpu.memory_space<semaphore_mem>>) src(%arg5 : memref<6x64xf32, #tpu.memory_space<vmem>>) dst(%arg3 : memref<6x64xf32, #tpu.memory_space<hbm>>)
        tpu.yield
      }) : () -> ()
    } else {
    }
    return
  }
}

</mosaic_0001>

<sc_bundles>
// kernel: kernel.3.cloned.1.call-start
scs
__scs_entry_jumppad:
0x0: {  	(pc) =	sbr.rel $0x88, $3  }
0x1: {  	(tag) =	ssettag $0x0;
	lr =	simm.s32 $0x1  }
0x2: {  	[smem:$0x3FA0] =	sst lr;
	_ =	strace $0xD0000000  }
0x3: {  	_ = 	snop  }
0x4: {  	_ = 	snop  }
0x5: {  	_ = 	snop  }
0x6: {  	_ = 	snop  }
0x7: {  	_ = 	snop  }
__scs_overlays_trampoline_lowered:
0x8: {  	[smem:$0x3FAF] =	sst s0  }
0x9: {  	[smem:$0x3FB0] =	sst s1  }
0xa: {  	[smem:$0x3FB1] =	sst s2  }
0xb: {  	[smem:$0x3FB2] =	sst s3  }
0xc: {  	[smem:$0x3FB3] =	sst s4  }
0xd: {  	[smem:$0x3FB4] =	sst s5  }
0xe: {  	[smem:$0x3FB5] =	sst s6  }
0xf: {  	[smem:$0x3FB6] =	sst s7  }
0x10: {  	[smem:$0x3FB7] =	sst s8  }
0x11: {  	[smem:$0x3FB8] =	sst s9;
	s0 =	simm.s32 @!p0 $0x0  }
0x12: {  	s1 =	sld [smem:$0x3F9E];
	s0 =	simm.s32 @p0 $0x1  }
0x13: {  	[smem:$0x3FB9] =	sst s0;
	s0 =	simm.s32 @!p1 $0x0  }
0x14: {  	s2 =	sld [smem:$0x3F9D];
	s0 =	simm.s32 @p1 $0x1  }
0x15: {  	[smem:$0x3FBA] =	sst s0;
	s0 =	simm.s32 @!p2 $0x0  }
0x16: {  	s3 =	sld [smem:$0x3FDB];
	s0 =	simm.s32 @p2 $0x1  }
0x17: {  	s4 =	simm.s32 $0x1BF5;
	[smem:$0x3FBC] =	sst s0  }
0x18: {  	s0 =	sld [smem:$0x3F9F];
	_ =	swait.ge [sflag:s4], $0x0  }
0x19: {  	s7 =	sld [smem:$0x3FA0]  }
0x1a: {  	s8 =	sadd.s32 $0xFFFFE003, lr  }
0x1b: {  	s9 =	sadd.s32 $0xFFFFFEF7, lr;
	s5 =	simm.s32 $0xFFFFFFFF;
	p2 =	slt.u32 s8, $0xFFFFF086  }
0x1c: {  	p1 =	slt.u32 s9, $0xF7A;
	s5 =	simm.s32 @!p2 $0x0  }
0x1d: {  	s5 =	simm.s32 @p1 $0x1;
	p0 =	seq.s32 s7, s2  }
0x1e: {  	s7 =	smul.u32 @!p0 $0xF7A, s2;
	p2 =	seq.s32 @!p0 s5, $0x0  }
0x1f: {  	s9 =	smul.u32 $0xF7A, s1;
	s8 =	simm.s32 @!p0 $0x1BF5;
	p2 =	por !p2, p0  }
0x20: {  	[sflag:s8] =	ssyncset.s32 @!p0 $0xFFFFF086;
	s6 =	sadd.s32 @!p0 s3, s7;
	s7 =	simm.s32 @!p0 $0x108  }
0x21: {  	s3 =	sadd.s32 s3, s9;
	s6 =	sadd.s32 @!p0 $0x88, s6;
	s7 =	simm.s32 @p2 $0x1082  }
0x22: {  	[simem:s7], [sflag:s8] =	dma.local @!p0 [hbm:s6], $0xF7A  }
0x23: {  	s9 =	sor.u32 $0xD0000000, s2;
	s6 =	simm.s32 $0x108;
	_ =	swait.ge @!p0 [sflag:s8], $0x0  }
0x24: {  	s3 =	sadd.s32 $0x88, s3;
	s6 =	simm.s32 @!p1 $0x1082;
	[sflag:s4] =	ssyncset.s32 $0xFFFFF086  }
0x25: {  	[simem:s6], [sflag:s4] =	dma.local [hbm:s3], $0xF7A  }
0x26: {  	[smem:$0x3FA0] =	sst s1;
	(tag) =	ssettag s2;
	_ =	strace s9  }
0x27: {  	s1 =	sld [smem:$0x3FB0]  }
0x28: {  	s2 =	sld [smem:$0x3FB1]  }
0x29: {  	s4 =	sld [smem:$0x3FB3]  }
0x2a: {  	p0 =	seq.s32 s5, $0x0;
	s5 =	sld [smem:$0x3FB4]  }
0x2b: {  	s6 =	sld [smem:$0x3FB5]  }
0x2c: {  	s7 =	sld [smem:$0x3FB6]  }
0x2d: {  	s3 =	simm.s32 $0x108;
	s8 =	sld [smem:$0x3FB7]  }
0x2e: {  	s3 =	simm.s32 @!p0 $0x1082;
	s9 =	sld [smem:$0x3FB8]  }
0x2f: {  	lr =	sadd.s32 s0, s3;
	s0 =	sld [smem:$0x3FAF]  }
0x30: {  	s3 =	sld [smem:$0x3FB2]  }
0x31: {  	[smem:$0x3FBB] =	sst s10  }
0x32: {  	s10 =	sld [smem:$0x3FB9];
	_ =	sdelay $0x3  }
0x33: {  	p0 =	seq.s32 s10, $0x1;
	s10 =	sld [smem:$0x3FBB];
	_ =	sdelay $0x3  }
0x34: {  	[smem:$0x3FBB] =	sst s10  }
0x35: {  	s10 =	sld [smem:$0x3FBA];
	_ =	sdelay $0x3  }
0x36: {  	p1 =	seq.s32 s10, $0x1;
	s10 =	sld [smem:$0x3FBB];
	_ =	sdelay $0x3  }
0x37: {  	[smem:$0x3FBB] =	sst s10  }
0x38: {  	s10 =	sld [smem:$0x3FBC]  }
0x39: {  	_ = 	snop;
	(pc) =	sbr.ind lr, $3  }
0x3a: {  	_ = 	snop  }
0x3b: {  	_ = 	snop  }
0x3c: {  	p2 =	seq.s32 s10, $0x1;
	s10 =	sld [smem:$0x3FBB]  }
0x3d: {  	_ =	shalt  }
0x3e: {  	_ =	shalt  }
0x3f: {  	_ =	shalt  }
0x40: {  	_ =	shalt  }
0x41: {  	_ =	shalt  }
0x42: {  	_ =	shalt  }
0x43: {  	_ =	shalt  }
0x44: {  	_ =	shalt  }
0x45: {  	_ =	shalt  }
0x46: {  	_ =	shalt  }
0x47: {  	_ =	shalt  }
0x48: {  	_ =	shalt  }
0x49: {  	_ =	shalt  }
0x4a: {  	_ =	shalt  }
0x4b: {  	_ =	shalt  }
0x4c: {  	_ =	shalt  }
0x4d: {  	_ =	shalt  }
0x4e: {  	_ =	shalt  }
0x4f: {  	_ =	shalt  }
0x50: {  	_ =	shalt  }
0x51: {  	_ =	shalt  }
0x52: {  	_ =	shalt  }
0x53: {  	_ =	shalt  }
0x54: {  	_ =	shalt  }
0x55: {  	_ =	shalt  }
0x56: {  	_ =	shalt  }
0x57: {  	_ =	shalt  }
0x58: {  	_ =	shalt  }
0x59: {  	_ =	shalt  }
0x5a: {  	_ =	shalt  }
0x5b: {  	_ =	shalt  }
0x5c: {  	_ =	shalt  }
0x5d: {  	_ =	shalt  }
0x5e: {  	_ =	shalt  }
0x5f: {  	_ =	shalt  }
0x60: {  	_ =	shalt  }
0x61: {  	_ =	shalt  }
0x62: {  	_ =	shalt  }
0x63: {  	_ =	shalt  }
0x64: {  	_ =	shalt  }
0x65: {  	_ =	shalt  }
0x66: {  	_ =	shalt  }
0x67: {  	_ =	shalt  }
0x68: {  	_ =	shalt  }
0x69: {  	_ =	shalt  }
0x6a: {  	_ =	shalt  }
0x6b: {  	_ =	shalt  }
0x6c: {  	_ =	shalt  }
0x6d: {  	_ =	shalt  }
0x6e: {  	_ =	shalt  }
0x6f: {  	_ =	shalt  }
0x70: {  	_ =	shalt  }
0x71: {  	_ =	shalt  }
0x72: {  	_ =	shalt  }
0x73: {  	_ =	shalt  }
0x74: {  	_ =	shalt  }
0x75: {  	_ =	shalt  }
0x76: {  	_ =	shalt  }
0x77: {  	_ =	shalt  }
0x78: {  	_ =	shalt  }
0x79: {  	_ =	shalt  }
0x7a: {  	_ =	shalt  }
0x7b: {  	_ =	shalt  }
0x7c: {  	_ =	shalt  }
0x7d: {  	_ =	shalt  }
0x7e: {  	_ =	shalt  }
0x7f: {  	_ =	shalt  }
0x80: {  	_ =	shalt  }
0x81: {  	_ =	shalt  }
0x82: {  	_ =	shalt  }
0x83: {  	_ =	shalt  }
0x84: {  	_ =	shalt  }
0x85: {  	_ =	shalt  }
0x86: {  	_ =	shalt  }
0x87: {  	_ =	shalt  }
.Lfunc_end0:
.L_simem_size_0:
called_computation_lowered:
.L_overlay_start_0:
0x88: {  	s0 =	sld [smem:$0x3FD9]  }
0x89: {  	s1 =	sld [smem:$0x3FFE];
	_ =	sdelay $0x3  }
0x8a: {  	s0 =	sadd.s32 s1, s0  }
0x8b: {  	[smem:$0x3FC7] =	sst s0  }
0x8c: {  	_ = 	snop  }
0x8d: {  	s0 =	sld [smem:$0x3FC9]  }
0x8e: {  	s17 =	sld [smem:$0x3FD0];
	(tm) =	ssettm $0x1  }
0x8f: {  	s2 =	sld [smem:$0x3FFB];
	_ =	sdelay $0x3  }
0x90: {  	_ =	strace s2  }
0x91: {  	s2 =	sld [smem:$0x3FFC];
	_ =	sdelay $0x3  }
0x92: {  	_ =	strace s2  }
0x93: {  	s2 =	sld [smem:$0x3FFD];
	_ =	sdelay $0x3  }
0x94: {  	_ =	strace s2  }
0x95: {  	_ =	strace $0x8FFFFFFF  }
0x96: {  	s18 =	sld [smem:$0x3FDB];
	_ =	sdelay $0x1  }
0x97: {  	s3 =	simm.s32 $_scs_section_size  }
0x98: {  	s4 =	simm.s32 $_size__tile_overlayer_lowered;
	s5 =	simm.s32 $_tile_overlayer_lowered  }
0x99: {  	s21 =	simm.s32 $0x1BFF;
	s20 =	sshll.u32 s5, $0x1;
	s2 =	sadd.s32 s3, s18  }
0x9a: {  	s6 =	simm.s32 $0x0;
	s19 =	sshll.u32 s4, $0x1;
	s4 =	sadd.s32 s20, s2  }
0x9b: {  	[timem:s6], [sflag:s21] =	dma.local [hbm:s4], s19  }
0x9c: {  	_ =	swait.ge [sflag:s21], s19  }
0x9d: {  	s3 =	ssub.s32 $0x0, s19;
	[sflag:s21] =	ssyncset.done $0x0  }
0x9e: {  	[sflag:s21] =	ssyncadd.s32 s3;
	_ =	sdelay $0x1  }
0x9f: {  	s22 =	simm.s32 $0x1B8B  }
0xa0: {  	_ =	swait.ge [sflag:s22], $0x1  }
0xa1: {  	[sflag:s22] =	ssyncset.done $0x0  }
0xa2: {  	s23 =	simm.s32 $0x1B8E;
	[sflag:s22] =	ssyncadd.s32 $0xFFFFFFFF  }
0xa3: {  	s24 =	simm.s32 $execute0_lowered;
	[smem:$0x3FD2] =	sst s23  }
0xa4: {  	s3 =	sshll.u32 s24, $0x1;
	_ =	strace $0x80000046;
	[dreg:$0x1] =	wrdreg $0xFFFFFFFF  }
0xa5: {  	s25 =	simm.s32 $_size_execute0_lowered;
	s2 =	sadd.s32 s2, s3;
	[dreg:$0x0] =	wrdreg $0x0  }
0xa6: {  	s3 =	sshll.u32 s25, $0x1;
	[dreg:$0x2] =	wrdreg s2  }
0xa7: {  	[dreg:$0x3] =	wrdreg s3  }
0xa8: {  	[dreg:$0x4] =	wrdreg $0xC0  }
0xa9: {  	_ =	task [dreg:s6], $0x5FFFF  }
0xaa: {  	[dreg:$0x1] =	wrdreg $0xFFFFFFFF  }
0xab: {  	[dreg:$0x0] =	wrdreg $0x60  }
0xac: {  	[dreg:$0x2] =	wrdreg s0  }
0xad: {  	[dreg:$0x3] =	wrdreg s17  }
0xae: {  	[dreg:$0x4] =	wrdreg $0x9  }
0xaf: {  	_ =	task.clear_ibuf [dreg:s6], $0x5FFFF;
	_ =	strace $0x90000046  }
0xb0: {  	s26 =	simm.s32 $0x9;
	_ =	strace $0x80000048  }
0xb1: {  	_ =	swait.ge [sflag:s26], $0x1  }
0xb2: {  	[sflag:s26] =	ssyncadd.s32 $0xFFFFFFFF  }
0xb3: {  	_ =	strace $0x90000048  }
0xb4: {  	_ =	sfence  }
0xb5: {  	s28 =	sld [smem:$0x0];
	_ =	sdelay $0x1  }
0xb6: {  	s29 =	srdreg.scid  }
0xb7: {  	s30 =	sshll.u32 s29, $0xD;
	s31 =	sshrl.u32 s29, $0x2  }
0xb8: {  	s1 =	sand.u32 $0x1, s29;
	s2 =	sand.u32 $0x4000, s30;
	s0 =	sadd.s32 s31, s28  }
0xb9: {  	s1 =	sor.u32 s2, s1;
	s0 =	sshll.u32 s0, $0x11  }
0xba: {  	s0 =	sor.u32 s0, s1  }
0xbb: {  	s0 =	sadd.s32 $0x8F2B, s0  }
0xbc: {  	[sflag:s0] =	ssyncadd.remote.s32 $0x1  }
0xbd: {  	_ =	sfence.sel $0xFFFF  }
0xbe: {  	[dreg:$0x0] =	wrdreg $0xFFFFFFFF;
	(pc) =	sbr.abs _section_cstart, $3  }
0xbf: {  	[dreg:$0x1] =	wrdreg $0xFFFFFFFF  }
0xc0: {  	_ =	task.clear_ibuf [dreg:s6], $0x2FFFF;
	_ =	strace $0x9FFFFFFF  }
0xc1: {  	(tm) =	ssettm $0x7FFFFFFF  }
tec
execute0_lowered:
.L_overlay_start_1:
0x0: {  	(tag) =	ssettag $0x1  }
0x1: {  	s3 =	rddreg [dreg:$0x0]  }
0x2: {  	s1 =	rddreg [dreg:$0x1];
	s2 =	simm.s32 $0x0  }
0x3: {  	s4 =	stileid.u32;
	[smem:$0x7FF] =	sst s2  }
0x4: {  	s0 =	rddreg [dreg:$0x2];
	p0 =	sne.s32 s4, $0x0;
	_ =	strace $0x80000047  }
0x5: {  	_ =	sfence.sel @p0 $0x180000  }
0x6: {  	[bflag:$0x0] =	sbarrier.arrive @p0 $0xFFFF  }
0x7: {  	_ =	strace @p0 $0x90000047  }
0x8: {  	[bflag:$0x2] =	sbarrier.arrive @p0 $0xFFFF  }
0x9: {  	_ =	shalt @p0  }
.LBB2_1:
0xa: {  	s4 =	simm.s32 $0x400;
	s5 =	simm.s32 $0x7A1400  }
0xb: {  	[tilespmem:s2], [sflag:$0x1] =	stream.strided.gather [hbm4b:s3+s4], $0x2000, s5, s4, $0x38;
	[tilespmem:$0x4400] =	vst v63  }
0xc: {  	s30 =	sadd.s32 $0x100, s3;
	s6 =	simm.s32 $0x2000;
	s31 =	simm.s32 $0x1  }
0xd: {  	[tilespmem:s6], [sflag:$0x1] =	stream.strided.gather [hbm4b:s30+s4], $0x2000, s5, s4, $0x38;
	[tilespmem:$0x4400] =	vst v63  }
0xe: {  	_ =	swait.ge [sflag:s31], $0x2000  }
0xf: {  	[sflag:s31] =	ssyncset.done $0x0  }
0x10: {  	[sflag:s31] =	ssyncadd.s32 $0xFFFFE000  }
0x11: {  	_ =	swait.ge [sflag:s31], $0x2000  }
0x12: {  	[sflag:s31] =	ssyncset.done $0x0  }
0x13: {  	v0 =	vlaneseq.u32;
	s3 =	simm.s32 $0x0;
	[sflag:s31] =	ssyncadd.s32 $0xFFFFE000  }
.LBB2_2:
0x14: {  	v3 =	vld [tilespmem:s2+$0x70];
	_ =	sdelay $0x1  }
0x15: {  	v4 =	vld [tilespmem:s2+$0x0];
	_ =	sdelay $0x1  }
0x16: {  	v1 =	vimm.f32 $0.0e+00;
	v2 =	vld.msk [tilespmem:s2+$0x10 ss:$0x0], $0xffff;
	v8 =	vimm.f32 $0.0e+00  }
0x17: {  	s4 =	simm.s32 $0x0;
	v5 =	vimm.f32 $0.0e+00;
	v6 =	vimm.f32 $0.0e+00;
	v9 =	vbroadcast v3, $0xB;
	v3 =	vld.msk [tilespmem:s2+$0x2000 ss:$0x0], $0xffff  }
0x18: {  	s5 =	sadd.s32 $0x80, s2;
	v10 =	vimm.f32 $0.0e+00;
	v7 =	vimm.f32 $0.0e+00;
	v11 =	vmov s4;
	s4 =	simm.s32 $0x1  }
.LBB2_3:
0x19: {  	v12 =	vld [tilespmem:s5+$0x70];
	p0 =	sne.s32 s4, $0xF;
	vm0 =	veq.s32 v11, v0;
	v11 =	vbroadcast v4, $0x5;
	v13 =	vbroadcast v4, $0x8;
	s6 =	smov.u32 s4;
	s4 =	sadd.s32 $0x1, s4  }
.Ltmp0:
0x1a: {  	v14 =	vbroadcast v4, $0x7;
	v4 =	vld [tilespmem:s5+$0x0];
	v1 =	vsel vm0, v9, v1;
	(pc) =	sbr.rel @p0 .LBB2_3-.Ltmp0, $3  }
0x1b: {  	v6 =	vsel vm0, v2, v6;
	v8 =	vsel vm0, v11, v8;
	v5 =	vsel vm0, v13, v5;
	v2 =	vld.msk [tilespmem:s5+$0x10 ss:$0x0], $0xffff  }
0x1c: {  	v10 =	vsel vm0, v14, v10;
	v7 =	vsel vm0, v3, v7;
	v3 =	vld.msk [tilespmem:s5+$0x2000 ss:$0x0], $0xffff;
	_ =	sdelay $0x1  }
0x1d: {  	v11 =	vmov s6;
	s5 =	sadd.s32 $0x80, s5;
	v9 =	vbroadcast v12, $0xB  }
0x1e: {  	vm0 =	veq.s32 v11, v0  }
0x1f: {  	v12 =	vbroadcast v4, $0x5;
	s4 =	sshll.u32 s3, $0x4;
	v2 =	vsel vm0, v2, v6  }
0x20: {  	v62 =	vbroadcast v4, $0x8;
	v1 =	vsel vm0, v9, v1;
	[tilespmem:s4+$0x4180] =	vst v2  }
0x21: {  	v63 =	vbroadcast v4, $0x7;
	v8 =	vsel vm0, v12, v8;
	[tilespmem:s4+$0x4280] =	vst v1  }
0x22: {  	v5 =	vsel vm0, v62, v5;
	[tilespmem:s4+$0x4000] =	vst v8  }
0x23: {  	s3 =	sadd.s32 $0x1, s3;
	v4 =	vsel vm0, v63, v10;
	[tilespmem:s4+$0x4080] =	vst v5  }
0x24: {  	s2 =	sadd.s32 $0x800, s2;
	p0 =	sne.s32 s3, $0x4;
	v3 =	vsel vm0, v3, v7;
	[tilespmem:s4+$0x4100] =	vst v4  }
0x25: {  	s2 =	simm.s32 @!p0 $0x0;
	s3 =	simm.s32 @!p0 $0x4000;
	[tilespmem:s4+$0x4200] =	vst v3  }
0x26: {  	[hbm4b:s1+s2] =	stream.linear.scatter @!p0 [tilespmem:s3], [sflag:$0x2], $0x300, $0x38;
	[tilespmem:$0x4400] =	vst v63  }
0x27: {  	s1 =	simm.s32 @!p0 $0x2  }
0x28: {  	_ =	swait.ge @!p0 [sflag:s1], $0x300  }
0x29: {  	[sflag:s1] =	ssyncset.done @!p0 $0x0  }
0x2a: {  	[sflag:s1] =	ssyncadd.s32 @!p0 $0xFFFFFD00  }
0x2b: {  	_ =	sfence.sel @!p0 $0x180000  }
0x2c: {  	[bflag:$0x0] =	sbarrier.arrive @!p0 $0xFFFF  }
0x2d: {  	_ =	strace @!p0 $0x90000047  }
0x2e: {  	s0 =	sadd.s32 @!p0 $0x100000, s0;
	[bflag:$0x2] =	sbarrier.arrive @!p0 $0xFFFF  }
0x2f: {  	[sflag:s0] =	ssyncadd.tile.s32 @!p0 $0x1;
	_ =	shalt @!p0  }
.Ltmp1:
0x30: {  	_ = 	snop;
	(pc) =	sbr.rel .LBB2_2-.Ltmp1, $4  }
0x31: {  	_ = 	snop  }
0x32: {  	_ = 	snop  }
0x33: {  	_ = 	snop  }
0x34: {  	_ = 	snop  }
.Lfunc_end2:
_tile_overlayer_lowered:
.L_overlay_start_2:
0x35: {  	(tag) =	ssettag $0x2  }
0x36: {  	s0 =	rddreg [dreg:$0x0];
	s2 =	stileid.u32  }
0x37: {  	s1 =	rddreg [dreg:$0x1];
	p0 =	sne.s32 s2, $0x0  }
0x38: {  	s3 =	rddreg [dreg:$0x2];
	[bflag:$0x3] =	sbarrier.arrive $0xFFFF;
	s2 =	simm.s32 @!p0 $0x1C02  }
0x39: {  	[timem:s3], [sflag:s2] =	dma.local @!p0 [hbm:s0], s1  }
0x3a: {  	s0 =	simm.s32 @!p0 $0x2  }
0x3b: {  	_ =	swait.ge @!p0 [sflag:s0], s1  }
0x3c: {  	s1 =	ssub.s32 @!p0 $0x0, s1;
	[sflag:s0] =	ssyncset.done @!p0 $0x0  }
0x3d: {  	[sflag:s0] =	ssyncadd.s32 @!p0 s1  }
0x3e: {  	[bflag:$0x3] =	sbarrier.arrive $0xFFFF  }
0x3f: {  	_ =	shalt  }

</sc_bundles>
